<compile_context>
chip_gen: v7x
topology: tpu7x:2x2x1
jax: 0.10.2.dev20260603
libtpu: 0.0.44.dev20260713+nightly
codegen_flags: <defaults>
</compile_context>

<pallas_src>
import functools

import jax
import jax.numpy as jnp
from jax import lax
from jax.experimental import pallas as pl
from jax.experimental.pallas import tpu as pltpu
from jax.experimental.pallas import tpu_sc as plsc

_B = 128
_V = 100000
_K = 1024


_NC = 2
_NS = 16
_NW = _NC * _NS

_NTOT = _B * _K + _B
_PER_W = -(-_NTOT // _NW)
_PER_W += (-_PER_W) % 8
_NPAD = _PER_W * _NW


def _sc_gather_body(x_hbm, idx_hbm, out_hbm, idx_v, val_v, sem):
    wid = lax.axis_index("s") * _NC + lax.axis_index("c")
    base = wid * _PER_W
    pltpu.sync_copy(idx_hbm.at[pl.ds(base, _PER_W)], idx_v)
    pltpu.async_copy(x_hbm.at[idx_v], val_v, sem).wait()
    pltpu.sync_copy(val_v, out_hbm.at[pl.ds(base, _PER_W)])


@functools.cache
def _sc_gather():
    return pl.kernel(
        _sc_gather_body,
        out_type=jax.ShapeDtypeStruct((_NPAD,), jnp.float32),
        mesh=plsc.VectorSubcoreMesh(
            core_axis_name="c", subcore_axis_name="s",
            num_cores=_NC, num_subcores=_NS),
        scratch_types=[
            pltpu.VMEM((_PER_W,), jnp.int32),
            pltpu.VMEM((_PER_W,), jnp.float32),
            pltpu.SemaphoreType.DMA,
        ],
    )


_TILE = 16384
_NT = -(-_V // _TILE)


def _tc_stream_body(x_ref, bg_ref, m_out, s_out, m_s, s_s):
    i = pl.program_id(0)
    c = bg_ref[2]

    @pl.when(i == 0)
    def _init():
        m_s[...] = jnp.full((_B, 128), -jnp.inf, jnp.float32)
        s_s[...] = jnp.zeros((_B, 128), jnp.float32)

    @pl.when(i == _NT - 1)
    def _mask_tail():
        x_ref[:, _V % _TILE:] = jnp.full(
            (_B, _TILE - _V % _TILE), -3.0e38, jnp.float32)

    a = x_ref[...] * c
    m_old = m_s[...][:, :1]
    s_old = s_s[...][:, :1]
    m_new = jnp.maximum(m_old, jnp.max(a, axis=1, keepdims=True))
    s_new = s_old * jnp.exp2(m_old - m_new) + jnp.sum(
        jnp.exp2(a - m_new), axis=1, keepdims=True)
    m_s[...] = jnp.broadcast_to(m_new, (_B, 128))
    s_s[...] = jnp.broadcast_to(s_new, (_B, 128))

    @pl.when(i == _NT - 1)
    def _emit():
        m_out[...] = m_new
        s_out[...] = s_new


_tc_stream = pl.pallas_call(
    _tc_stream_body,
    grid=(_NT,),
    in_specs=[
        pl.BlockSpec((_B, _TILE), lambda i: (0, i)),
        pl.BlockSpec(memory_space=pltpu.SMEM),
    ],
    out_specs=[
        pl.BlockSpec((_B, 1), lambda i: (0, 0)),
        pl.BlockSpec((_B, 1), lambda i: (0, 0)),
    ],
    out_shape=[
        jax.ShapeDtypeStruct((_B, 1), jnp.float32),
        jax.ShapeDtypeStruct((_B, 1), jnp.float32),
    ],
    scratch_shapes=[
        pltpu.VMEM((_B, 128), jnp.float32),
        pltpu.VMEM((_B, 128), jnp.float32),
    ],
    compiler_params=pltpu.CompilerParams(
        dimension_semantics=("arbitrary",)),
)



def _tc_epi_body(top_ref, w_ref, xtok_ref, intop_ref, m_ref, s_ref, bg_ref,
                 out_ref):
    inv_g = bg_ref[1]
    c = bg_ref[2]
    a_top = top_ref[...] * inv_g
    a_bf = a_top.astype(jnp.bfloat16).astype(jnp.float32)
    w_bf = w_ref[...].astype(jnp.bfloat16).astype(jnp.float32)
    t = jnp.clip(
        jnp.sum(a_bf * w_bf, axis=1, keepdims=True) + bg_ref[0],
        1e-6, None)
    a2_top = top_ref[...] * c
    top_mod = a2_top / t
    m_all = m_ref[...]
    s_all = s_ref[...]
    m2 = jnp.maximum(m_all, jnp.max(top_mod, axis=1, keepdims=True))
    corr = jnp.sum(jnp.exp2(top_mod - m2) - jnp.exp2(a2_top - m2),
                   axis=1, keepdims=True)
    s_tot = s_all * jnp.exp2(m_all - m2) + corr
    a_tok = xtok_ref[...] * c
    a_eff = jnp.where(intop_ref[...] != 0, a_tok / t, a_tok)
    out_ref[...] = jnp.exp2(a_eff - m2) / s_tot


_tc_epi = pl.pallas_call(
    _tc_epi_body,
    in_specs=[
        pl.BlockSpec((_B, _K), lambda: (0, 0)),
        pl.BlockSpec((1, _K), lambda: (0, 0)),
        pl.BlockSpec((_B, 1), lambda: (0, 0)),
        pl.BlockSpec((_B, 1), lambda: (0, 0)),
        pl.BlockSpec((_B, 1), lambda: (0, 0)),
        pl.BlockSpec((_B, 1), lambda: (0, 0)),
        pl.BlockSpec(memory_space=pltpu.SMEM),
    ],
    out_specs=pl.BlockSpec((_B, 1), lambda: (0, 0)),
    out_shape=jax.ShapeDtypeStruct((_B, 1), jnp.float32),
)


def kernel(x, tokens, top_token_ids, W, b, general_temp):
    flat_top = (jnp.arange(_B, dtype=jnp.int32)[:, None] * _V
                + top_token_ids[None, :]).reshape(-1)
    flat_tok = jnp.arange(_B, dtype=jnp.int32) * _V + tokens
    idx = jnp.concatenate([
        flat_top, flat_tok,
        jnp.zeros((_NPAD - _NTOT,), jnp.int32)])

    pos = jnp.searchsorted(top_token_ids, tokens)
    in_top = ((pos < _K)
              & (top_token_ids[jnp.minimum(pos, _K - 1)] == tokens))

    inv_g = 1.0 / general_temp
    log2e = 1.4426950408889634
    bg = jnp.stack([b[0], inv_g, inv_g * log2e]).astype(jnp.float32)

    gathered = _sc_gather()(x.reshape(-1), idx)
    top = gathered[: _B * _K].reshape(_B, _K)
    xtok = gathered[_B * _K: _B * _K + _B].reshape(_B, 1)

    m_all, s_all = _tc_stream(x, bg)
    out = _tc_epi(top, W, xtok,
                  in_top.astype(jnp.int32).reshape(_B, 1),
                  m_all, s_all, bg)
    return out.reshape(_B)

# --- scband reference (transcript-rebuilt; emitter-appended) ---
"""Pipeline reference for scband-tiered-ptsmodel-23476291240798 (READ-ONLY COPY).

The authoritative reference and input builder live on the scoring server;
editing this copy changes nothing except your own understanding.
"""

import jax, jax.numpy as jnp
import numpy as np

B = 128
V = 100000
K = 1024


def setup_inputs(seed: int = 0) -> dict:
    key = jax.random.key(seed)
    k1, k2, k3 = jax.random.split(key, 3)
    x = jax.random.normal(k1, (B, V), dtype=jnp.float32)
    tokens = jax.random.randint(k2, (B,), 0, V, dtype=jnp.int32)
    # top_token_ids must be unique indices into the vocab (as in set_tokens)
    rng = np.random.default_rng(0)
    top_token_ids = jnp.asarray(np.sort(rng.choice(V, size=K, replace=False)), dtype=jnp.int32)
    # learned parameters: top_linear (Linear(K, 1)) and general_temp scalar
    W = jax.random.normal(k3, (1, K), dtype=jnp.float32) * 0.02
    b = jnp.zeros((1,), dtype=jnp.float32)
    general_temp = jnp.asarray(1.0, dtype=jnp.float32)
    return {"x": x, "tokens": tokens, "top_token_ids": top_token_ids, "W": W, "b": b, "general_temp": general_temp}


def reference(x, tokens, top_token_ids, W, b, general_temp):
    # x.div_(general_temp)
    x = x / general_temp
    # gather top-token logits: x[:, top_token_ids]
    top = x[:, top_token_ids]                       # [B, K]
    # top_temp = clamp(Linear(top), min=1e-6)
    top_temp = jnp.clip(top @ W.T + b, 1e-6, None)  # [B, 1]
    # scatter-overwrite: x[:, top_token_ids] = top / top_temp
    x = x.at[:, top_token_ids].set(top / top_temp)
    # softmax over vocab
    p = jax.nn.softmax(x, axis=1)
    # tokens provided -> take_along_dim(p, tokens[:, None], dim=1).squeeze(1)
    out = jnp.take_along_axis(p, tokens[:, None], axis=1).squeeze(1)  # [B]
    return out

if __name__ == "__main__":
    import jax
    _d = setup_inputs()
    print(jax.jit(kernel)(*tuple(_d.values())))

</pallas_src>

<mosaic_0001>
#map = affine_map<(d0, d1) -> (0)>
module attributes {stable_mosaic.version = 14 : i64} {
  func.func @_sc_gather_body(%arg0: i32, %arg1: i32, %arg2: memref<12800000xf32, #tpu.memory_space<hbm>>, %arg3: memref<131328xi32, #tpu.memory_space<hbm>>, %arg4: memref<131328xf32, #tpu.memory_space<hbm>>, %arg5: memref<4104xi32, #tpu.memory_space<vmem>>, %arg6: memref<4104xf32, #tpu.memory_space<vmem>>, %arg7: memref<!tpu.dma_semaphore, #tpu.memory_space<semaphore_mem>>) attributes {dimension_semantics = [#tpu.dimension_semantics<core_parallel>, #tpu.dimension_semantics<subcore_parallel>], iteration_bounds = array<i64: 2, 16>, scalar_prefetch = 0 : i64, scratch_operands = 3 : i64, tpu.core_type = #tpu.core_type<sc_vector_subcore>, window_params = [{transform_indices = #map}, {transform_indices = #map}, {transform_indices = #map}]} {
    %mul3A = arith.constant 2 : i32
    %mul3A_0 = arith.muli %arg1, %mul3A : i32
    %add3A = arith.addi %mul3A_0, %arg0 : i32
    %mul3A_1 = arith.constant 4104 : i32
    %mul3A_2 = arith.muli %add3A, %mul3A_1 : i32
    "tpu.region"() ({
      %run_scoped3A = tpu.sem_alloc : memref<!tpu.dma_semaphore, #tpu.memory_space<semaphore_mem>>
      %dma_start3A_5 = tpu.memref_slice %arg3[%mul3A_2] : memref<131328xi32, #tpu.memory_space<hbm>> -> memref<4104xi32, #tpu.memory_space<hbm>>
      %dma_start3A_6 = tpu.memref_slice %arg3[%mul3A_2] : memref<131328xi32, #tpu.memory_space<hbm>> -> memref<4104xi32, #tpu.memory_space<hbm>>
      tpu.enqueue_dma source(%dma_start3A_6 : memref<4104xi32, #tpu.memory_space<hbm>>) target(%arg5 : memref<4104xi32, #tpu.memory_space<vmem>>) target_semaphore(%run_scoped3A : memref<!tpu.dma_semaphore, #tpu.memory_space<semaphore_mem>>)
      %dma_wait3A_7 = tpu.memref_slice %arg3[%mul3A_2] : memref<131328xi32, #tpu.memory_space<hbm>> -> memref<4104xi32, #tpu.memory_space<hbm>>
      %dma_wait3A_8 = tpu.memref_slice %arg3[%mul3A_2] : memref<131328xi32, #tpu.memory_space<hbm>> -> memref<4104xi32, #tpu.memory_space<hbm>>
      tpu.wait_dma2 semaphore(%run_scoped3A : memref<!tpu.dma_semaphore, #tpu.memory_space<semaphore_mem>>) src(%dma_wait3A_8 : memref<4104xi32, #tpu.memory_space<hbm>>) dst(%arg5 : memref<4104xi32, #tpu.memory_space<vmem>>)
      tpu.yield
    }) : () -> ()
    %dma_start3A = arith.constant 0 : i32
    %dma_start3A_3 = tpu.memref_slice %arg2[%dma_start3A] : memref<12800000xf32, #tpu.memory_space<hbm>> -> memref<12800000xf32, #tpu.memory_space<hbm>>
    tpu.enqueue_indirect_dma source(%dma_start3A_3 : memref<12800000xf32, #tpu.memory_space<hbm>>) target(%arg6 : memref<4104xf32, #tpu.memory_space<vmem>>) offsets(%arg5 : memref<4104xi32, #tpu.memory_space<vmem>>) semaphore(%arg7 : memref<!tpu.dma_semaphore, #tpu.memory_space<semaphore_mem>>)
    %dma_wait3A = arith.constant 0 : i32
    %dma_wait3A_4 = tpu.memref_slice %arg2[%dma_wait3A] : memref<12800000xf32, #tpu.memory_space<hbm>> -> memref<12800000xf32, #tpu.memory_space<hbm>>
    tpu.wait_indirect_dma semaphore(%arg7 : memref<!tpu.dma_semaphore, #tpu.memory_space<semaphore_mem>>) src(%dma_wait3A_4 : memref<12800000xf32, #tpu.memory_space<hbm>>) dst(%arg6 : memref<4104xf32, #tpu.memory_space<vmem>>)
    "tpu.region"() ({
      %run_scoped3A = tpu.sem_alloc : memref<!tpu.dma_semaphore, #tpu.memory_space<semaphore_mem>>
      %dma_start3A_5 = tpu.memref_slice %arg4[%mul3A_2] : memref<131328xf32, #tpu.memory_space<hbm>> -> memref<4104xf32, #tpu.memory_space<hbm>>
      %dma_start3A_6 = tpu.memref_slice %arg4[%mul3A_2] : memref<131328xf32, #tpu.memory_space<hbm>> -> memref<4104xf32, #tpu.memory_space<hbm>>
      tpu.enqueue_dma source(%arg6 : memref<4104xf32, #tpu.memory_space<vmem>>) target(%dma_start3A_6 : memref<4104xf32, #tpu.memory_space<hbm>>) target_semaphore(%run_scoped3A : memref<!tpu.dma_semaphore, #tpu.memory_space<semaphore_mem>>)
      %dma_wait3A_7 = tpu.memref_slice %arg4[%mul3A_2] : memref<131328xf32, #tpu.memory_space<hbm>> -> memref<4104xf32, #tpu.memory_space<hbm>>
      %dma_wait3A_8 = tpu.memref_slice %arg4[%mul3A_2] : memref<131328xf32, #tpu.memory_space<hbm>> -> memref<4104xf32, #tpu.memory_space<hbm>>
      tpu.wait_dma2 semaphore(%run_scoped3A : memref<!tpu.dma_semaphore, #tpu.memory_space<semaphore_mem>>) src(%arg6 : memref<4104xf32, #tpu.memory_space<vmem>>) dst(%dma_wait3A_8 : memref<4104xf32, #tpu.memory_space<hbm>>)
      tpu.yield
    }) : () -> ()
    return
  }
}

module attributes {stable_mosaic.version = 14 : i64} {
  func.func @_tc_stream_body(%arg0: i32, %arg1: memref<128x16384xf32, #tpu.memory_space<vmem>>, %arg2: memref<3xf32, #tpu.memory_space<smem>>, %arg3: memref<128x1xf32, #tpu.memory_space<vmem>>, %arg4: memref<128x1xf32, #tpu.memory_space<vmem>>, %arg5: memref<128x128xf32, #tpu.memory_space<vmem>>, %arg6: memref<128x128xf32, #tpu.memory_space<vmem>>) attributes {dimension_semantics = [#tpu.dimension_semantics<arbitrary>], iteration_bounds = array<i64: 7>, scalar_prefetch = 0 : i64, scratch_operands = 2 : i64, tpu.core_type = #tpu.core_type<tc>, window_params = [{transform_indices = @transform_0, window_bounds = array<i64: 128, 16384>}, {transform_indices = @transform_1, window_bounds = array<i64: 3>}, {pipeline_mode = #tpu.pipeline_mode<synchronous>, transform_indices = @transform_2, window_bounds = array<i64: 128, 1>}, {pipeline_mode = #tpu.pipeline_mode<synchronous>, transform_indices = @transform_3, window_bounds = array<i64: 128, 1>}]} {
    %get3A = arith.constant 2 : index
    %get3A_0 = memref.load %arg2[%get3A] : memref<3xf32, #tpu.memory_space<smem>>
    %eq3A = arith.constant 0 : i32
    %eq3A_1 = arith.cmpi eq, %arg0, %eq3A : i32
    %convert_element_type3A = arith.extui %eq3A_1 : i1 to i32
    %cond3A = arith.constant 0 : i32
    %cond3A_2 = arith.cmpi ne, %convert_element_type3A, %cond3A : i32
    scf.if %cond3A_2 {
      %broadcast_in_dim3A_40 = arith.constant 0xFF800000 : f32
      %broadcast_in_dim3A_41 = vector.broadcast %broadcast_in_dim3A_40 : f32 to vector<128x128xf32>
      %swap3A_42 = arith.constant 0 : index
      %swap3A_43 = arith.constant 0 : index
      %swap3A_44 = vector.load %arg5[%swap3A_42, %swap3A_43] : memref<128x128xf32, #tpu.memory_space<vmem>>, vector<128x128xf32>
      tpu.vector_store %arg5[%swap3A_42, %swap3A_43], %broadcast_in_dim3A_41 {strides = array<i32>} : memref<128x128xf32, #tpu.memory_space<vmem>>, vector<128x128xf32>,
      %broadcast_in_dim3A_45 = arith.constant 0.000000e+00 : f32
      %broadcast_in_dim3A_46 = vector.broadcast %broadcast_in_dim3A_45 : f32 to vector<128x128xf32>
      %swap3A_47 = arith.constant 0 : index
      %swap3A_48 = arith.constant 0 : index
      %swap3A_49 = vector.load %arg6[%swap3A_47, %swap3A_48] : memref<128x128xf32, #tpu.memory_space<vmem>>, vector<128x128xf32>
      tpu.vector_store %arg6[%swap3A_47, %swap3A_48], %broadcast_in_dim3A_46 {strides = array<i32>} : memref<128x128xf32, #tpu.memory_space<vmem>>, vector<128x128xf32>,
    } else {
    }
    %eq3A_3 = arith.constant 6 : i32
    %eq3A_4 = arith.cmpi eq, %arg0, %eq3A_3 : i32
    %convert_element_type3A_5 = arith.extui %eq3A_4 : i1 to i32
    %cond3A_6 = arith.constant 0 : i32
    %cond3A_7 = arith.cmpi ne, %convert_element_type3A_5, %cond3A_6 : i32
    scf.if %cond3A_7 {
      %broadcast_in_dim3A_40 = arith.constant -3.000000e+38 : f32
      %broadcast_in_dim3A_41 = vector.broadcast %broadcast_in_dim3A_40 : f32 to vector<128x14688xf32>
      %swap3A_42 = arith.constant 0 : index
      %swap3A_43 = arith.constant 1696 : index
      %swap3A_44 = vector.load %arg1[%swap3A_42, %swap3A_43] : memref<128x16384xf32, #tpu.memory_space<vmem>>, vector<128x14688xf32>
      tpu.vector_store %arg1[%swap3A_42, %swap3A_43], %broadcast_in_dim3A_41 {strides = array<i32>} : memref<128x16384xf32, #tpu.memory_space<vmem>>, vector<128x14688xf32>,
    } else {
    }
    %get3A_8 = arith.constant 0 : index
    %get3A_9 = arith.constant 0 : index
    %get3A_10 = vector.load %arg1[%get3A_8, %get3A_9] : memref<128x16384xf32, #tpu.memory_space<vmem>>, vector<128x16384xf32>
    %mul3A = vector.broadcast %get3A_0 : f32 to vector<128x16384xf32>
    %mul3A_11 = arith.mulf %get3A_10, %mul3A : vector<128x16384xf32>
    %get3A_12 = arith.constant 0 : index
    %get3A_13 = arith.constant 0 : index
    %get3A_14 = vector.load %arg5[%get3A_12, %get3A_13] : memref<128x128xf32, #tpu.memory_space<vmem>>, vector<128x128xf32>
    %slice3A = vector.extract_strided_slice %get3A_14 {offsets = [0, 0], sizes = [128, 1], strides = [1, 1]} : vector<128x128xf32> to vector<128x1xf32>
    %get3A_15 = arith.constant 0 : index
    %get3A_16 = arith.constant 0 : index
    %get3A_17 = vector.load %arg6[%get3A_15, %get3A_16] : memref<128x128xf32, #tpu.memory_space<vmem>>, vector<128x128xf32>
    %slice3A_18 = vector.extract_strided_slice %get3A_17 {offsets = [0, 0], sizes = [128, 1], strides = [1, 1]} : vector<128x128xf32> to vector<128x1xf32>
    %reduce_max3A = arith.constant dense<0xFF800000> : vector<128xf32>
    %reduce_max3A_19 = vector.multi_reduction <maximumf>, %mul3A_11, %reduce_max3A [1] : vector<128x16384xf32> to vector<128xf32>
    %broadcast_in_dim3A = vector.shape_cast %reduce_max3A_19 : vector<128xf32> to vector<128x1xf32>
    %max3A = arith.maximumf %slice3A, %broadcast_in_dim3A : vector<128x1xf32>
    %sub3A = arith.subf %slice3A, %max3A : vector<128x1xf32>
    %exp23A = math.exp2 %sub3A : vector<128x1xf32>
    %mul3A_20 = arith.mulf %slice3A_18, %exp23A : vector<128x1xf32>
    %sub3A_21 = vector.broadcast %max3A : vector<128x1xf32> to vector<128x16384xf32>
    %sub3A_22 = arith.subf %mul3A_11, %sub3A_21 : vector<128x16384xf32>
    %exp23A_23 = math.exp2 %sub3A_22 : vector<128x16384xf32>
    %reduce_sum3A = arith.constant dense<0.000000e+00> : vector<128xf32>
    %reduce_sum3A_24 = vector.multi_reduction <add>, %exp23A_23, %reduce_sum3A [1] : vector<128x16384xf32> to vector<128xf32>
    %broadcast_in_dim3A_25 = vector.shape_cast %reduce_sum3A_24 : vector<128xf32> to vector<128x1xf32>
    %add3A = arith.addf %mul3A_20, %broadcast_in_dim3A_25 : vector<128x1xf32>
    %broadcast_in_dim3A_26 = vector.shape_cast %max3A : vector<128x1xf32> to vector<128x1xf32>
    %broadcast_in_dim3A_27 = vector.broadcast %broadcast_in_dim3A_26 : vector<128x1xf32> to vector<128x128xf32>
    %swap3A = arith.constant 0 : index
    %swap3A_28 = arith.constant 0 : index
    %swap3A_29 = vector.load %arg5[%swap3A, %swap3A_28] : memref<128x128xf32, #tpu.memory_space<vmem>>, vector<128x128xf32>
    tpu.vector_store %arg5[%swap3A, %swap3A_28], %broadcast_in_dim3A_27 {strides = array<i32>} : memref<128x128xf32, #tpu.memory_space<vmem>>, vector<128x128xf32>,
    %broadcast_in_dim3A_30 = vector.shape_cast %add3A : vector<128x1xf32> to vector<128x1xf32>
    %broadcast_in_dim3A_31 = vector.broadcast %broadcast_in_dim3A_30 : vector<128x1xf32> to vector<128x128xf32>
    %swap3A_32 = arith.constant 0 : index
    %swap3A_33 = arith.constant 0 : index
    %swap3A_34 = vector.load %arg6[%swap3A_32, %swap3A_33] : memref<128x128xf32, #tpu.memory_space<vmem>>, vector<128x128xf32>
    tpu.vector_store %arg6[%swap3A_32, %swap3A_33], %broadcast_in_dim3A_31 {strides = array<i32>} : memref<128x128xf32, #tpu.memory_space<vmem>>, vector<128x128xf32>,
    %eq3A_35 = arith.constant 6 : i32
    %eq3A_36 = arith.cmpi eq, %arg0, %eq3A_35 : i32
    %convert_element_type3A_37 = arith.extui %eq3A_36 : i1 to i32
    %cond3A_38 = arith.constant 0 : i32
    %cond3A_39 = arith.cmpi ne, %convert_element_type3A_37, %cond3A_38 : i32
    scf.if %cond3A_39 {
      %swap3A_40 = arith.constant 0 : index
      %swap3A_41 = arith.constant 0 : index
      %swap3A_42 = vector.load %arg3[%swap3A_40, %swap3A_41] : memref<128x1xf32, #tpu.memory_space<vmem>>, vector<128x1xf32>
      tpu.vector_store %arg3[%swap3A_40, %swap3A_41], %max3A {strides = array<i32>} : memref<128x1xf32, #tpu.memory_space<vmem>>, vector<128x1xf32>,
      %swap3A_43 = arith.constant 0 : index
      %swap3A_44 = arith.constant 0 : index
      %swap3A_45 = vector.load %arg4[%swap3A_43, %swap3A_44] : memref<128x1xf32, #tpu.memory_space<vmem>>, vector<128x1xf32>
      tpu.vector_store %arg4[%swap3A_43, %swap3A_44], %add3A {strides = array<i32>} : memref<128x1xf32, #tpu.memory_space<vmem>>, vector<128x1xf32>,
    } else {
    }
    return
  }
  func.func @transform_0(%arg0: i32) -> (i32, i32) {
    %c0_i32 = arith.constant 0 : i32
    %c0_i32_0 = arith.constant 0 : i32
    return %c0_i32, %arg0 : i32, i32
  }
  func.func @transform_1(%arg0: i32) -> i32 {
    %c0_i32 = arith.constant 0 : i32
    %c0_i32_0 = arith.constant 0 : i32
    return %c0_i32 : i32
  }
  func.func @transform_2(%arg0: i32) -> (i32, i32) {
    %c0_i32 = arith.constant 0 : i32
    %c0_i32_0 = arith.constant 0 : i32
    %c0_i32_1 = arith.constant 0 : i32
    return %c0_i32, %c0_i32_0 : i32, i32
  }
  func.func @transform_3(%arg0: i32) -> (i32, i32) {
    %c0_i32 = arith.constant 0 : i32
    %c0_i32_0 = arith.constant 0 : i32
    %c0_i32_1 = arith.constant 0 : i32
    return %c0_i32, %c0_i32_0 : i32, i32
  }
}

module attributes {stable_mosaic.version = 14 : i64} {
  func.func @_tc_epi_body(%arg0: memref<128x1024xf32, #tpu.memory_space<vmem>>, %arg1: memref<1x1024xf32, #tpu.memory_space<vmem>>, %arg2: memref<128x1xf32, #tpu.memory_space<vmem>>, %arg3: memref<128x1xi32, #tpu.memory_space<vmem>>, %arg4: memref<128x1xf32, #tpu.memory_space<vmem>>, %arg5: memref<128x1xf32, #tpu.memory_space<vmem>>, %arg6: memref<3xf32, #tpu.memory_space<smem>>, %arg7: memref<128x1xf32, #tpu.memory_space<vmem>>) attributes {dimension_semantics = [], scalar_prefetch = 0 : i64, scratch_operands = 0 : i64, tpu.core_type = #tpu.core_type<tc>} {
    %get3A = arith.constant 1 : index
    %get3A_0 = memref.load %arg6[%get3A] : memref<3xf32, #tpu.memory_space<smem>>
    %get3A_1 = arith.constant 2 : index
    %get3A_2 = memref.load %arg6[%get3A_1] : memref<3xf32, #tpu.memory_space<smem>>
    %get3A_3 = arith.constant 0 : index
    %get3A_4 = arith.constant 0 : index
    %get3A_5 = vector.load %arg0[%get3A_3, %get3A_4] : memref<128x1024xf32, #tpu.memory_space<vmem>>, vector<128x1024xf32>
    %mul3A = vector.broadcast %get3A_0 : f32 to vector<128x1024xf32>
    %mul3A_6 = arith.mulf %get3A_5, %mul3A : vector<128x1024xf32>
    %convert_element_type3A = arith.truncf %mul3A_6 : vector<128x1024xf32> to vector<128x1024xbf16>
    %convert_element_type3A_7 = arith.extf %convert_element_type3A : vector<128x1024xbf16> to vector<128x1024xf32>
    %get3A_8 = arith.constant 0 : index
    %get3A_9 = arith.constant 0 : index
    %get3A_10 = vector.load %arg1[%get3A_8, %get3A_9] : memref<1x1024xf32, #tpu.memory_space<vmem>>, vector<1x1024xf32>
    %convert_element_type3A_11 = arith.truncf %get3A_10 : vector<1x1024xf32> to vector<1x1024xbf16>
    %convert_element_type3A_12 = arith.extf %convert_element_type3A_11 : vector<1x1024xbf16> to vector<1x1024xf32>
    %mul3A_13 = vector.broadcast %convert_element_type3A_12 : vector<1x1024xf32> to vector<128x1024xf32>
    %mul3A_14 = arith.mulf %convert_element_type3A_7, %mul3A_13 : vector<128x1024xf32>
    %reduce_sum3A = arith.constant dense<0.000000e+00> : vector<128xf32>
    %reduce_sum3A_15 = vector.multi_reduction <add>, %mul3A_14, %reduce_sum3A [1] : vector<128x1024xf32> to vector<128xf32>
    %broadcast_in_dim3A = vector.shape_cast %reduce_sum3A_15 : vector<128xf32> to vector<128x1xf32>
    %get3A_16 = arith.constant 0 : index
    %get3A_17 = memref.load %arg6[%get3A_16] : memref<3xf32, #tpu.memory_space<smem>>
    %add3A = vector.broadcast %get3A_17 : f32 to vector<128x1xf32>
    %add3A_18 = arith.addf %broadcast_in_dim3A, %add3A : vector<128x1xf32>
    %jit3A = arith.constant 9.99999997E-7 : f32
    %max3A = vector.broadcast %jit3A : f32 to vector<128x1xf32>
    %max3A_19 = arith.maximumf %max3A, %add3A_18 : vector<128x1xf32>
    %get3A_20 = arith.constant 0 : index
    %get3A_21 = arith.constant 0 : index
    %get3A_22 = vector.load %arg0[%get3A_20, %get3A_21] : memref<128x1024xf32, #tpu.memory_space<vmem>>, vector<128x1024xf32>
    %mul3A_23 = vector.broadcast %get3A_2 : f32 to vector<128x1024xf32>
    %mul3A_24 = arith.mulf %get3A_22, %mul3A_23 : vector<128x1024xf32>
    %div3A = vector.broadcast %max3A_19 : vector<128x1xf32> to vector<128x1024xf32>
    %div3A_25 = arith.divf %mul3A_24, %div3A : vector<128x1024xf32>
    %get3A_26 = arith.constant 0 : index
    %get3A_27 = arith.constant 0 : index
    %get3A_28 = vector.load %arg4[%get3A_26, %get3A_27] : memref<128x1xf32, #tpu.memory_space<vmem>>, vector<128x1xf32>
    %get3A_29 = arith.constant 0 : index
    %get3A_30 = arith.constant 0 : index
    %get3A_31 = vector.load %arg5[%get3A_29, %get3A_30] : memref<128x1xf32, #tpu.memory_space<vmem>>, vector<128x1xf32>
    %reduce_max3A = arith.constant dense<0xFF800000> : vector<128xf32>
    %reduce_max3A_32 = vector.multi_reduction <maximumf>, %div3A_25, %reduce_max3A [1] : vector<128x1024xf32> to vector<128xf32>
    %broadcast_in_dim3A_33 = vector.shape_cast %reduce_max3A_32 : vector<128xf32> to vector<128x1xf32>
    %max3A_34 = arith.maximumf %get3A_28, %broadcast_in_dim3A_33 : vector<128x1xf32>
    %sub3A = vector.broadcast %max3A_34 : vector<128x1xf32> to vector<128x1024xf32>
    %sub3A_35 = arith.subf %div3A_25, %sub3A : vector<128x1024xf32>
    %exp23A = math.exp2 %sub3A_35 : vector<128x1024xf32>
    %sub3A_36 = vector.broadcast %max3A_34 : vector<128x1xf32> to vector<128x1024xf32>
    %sub3A_37 = arith.subf %mul3A_24, %sub3A_36 : vector<128x1024xf32>
    %exp23A_38 = math.exp2 %sub3A_37 : vector<128x1024xf32>
    %sub3A_39 = arith.subf %exp23A, %exp23A_38 : vector<128x1024xf32>
    %reduce_sum3A_40 = arith.constant dense<0.000000e+00> : vector<128xf32>
    %reduce_sum3A_41 = vector.multi_reduction <add>, %sub3A_39, %reduce_sum3A_40 [1] : vector<128x1024xf32> to vector<128xf32>
    %broadcast_in_dim3A_42 = vector.shape_cast %reduce_sum3A_41 : vector<128xf32> to vector<128x1xf32>
    %sub3A_43 = arith.subf %get3A_28, %max3A_34 : vector<128x1xf32>
    %exp23A_44 = math.exp2 %sub3A_43 : vector<128x1xf32>
    %mul3A_45 = arith.mulf %get3A_31, %exp23A_44 : vector<128x1xf32>
    %add3A_46 = arith.addf %mul3A_45, %broadcast_in_dim3A_42 : vector<128x1xf32>
    %get3A_47 = arith.constant 0 : index
    %get3A_48 = arith.constant 0 : index
    %get3A_49 = vector.load %arg2[%get3A_47, %get3A_48] : memref<128x1xf32, #tpu.memory_space<vmem>>, vector<128x1xf32>
    %mul3A_50 = vector.broadcast %get3A_2 : f32 to vector<128x1xf32>
    %mul3A_51 = arith.mulf %get3A_49, %mul3A_50 : vector<128x1xf32>
    %get3A_52 = arith.constant 0 : index
    %get3A_53 = arith.constant 0 : index
    %get3A_54 = vector.load %arg3[%get3A_52, %get3A_53] : memref<128x1xi32, #tpu.memory_space<vmem>>, vector<128x1xi32>
    %ne3A = arith.constant 0 : i32
    %ne3A_55 = vector.broadcast %ne3A : i32 to vector<128x1xi32>
    %ne3A_56 = arith.cmpi ne, %get3A_54, %ne3A_55 : vector<128x1xi32>
    %div3A_57 = arith.divf %mul3A_51, %max3A_19 : vector<128x1xf32>
    %select_n3A = arith.select %ne3A_56, %div3A_57, %mul3A_51 : vector<128x1xi1>, vector<128x1xf32>
    %sub3A_58 = arith.subf %select_n3A, %max3A_34 : vector<128x1xf32>
    %exp23A_59 = math.exp2 %sub3A_58 : vector<128x1xf32>
    %div3A_60 = arith.divf %exp23A_59, %add3A_46 : vector<128x1xf32>
    %swap3A = arith.constant 0 : index
    %swap3A_61 = arith.constant 0 : index
    %swap3A_62 = vector.load %arg7[%swap3A, %swap3A_61] : memref<128x1xf32, #tpu.memory_space<vmem>>, vector<128x1xf32>
    tpu.vector_store %arg7[%swap3A, %swap3A_61], %div3A_60 {strides = array<i32>} : memref<128x1xf32, #tpu.memory_space<vmem>>, vector<128x1xf32>,
    return
  }
}

</mosaic_0001>

<sc_bundles>
// kernel: kernel.5.cloned.1.call-start
scs
__scs_entry_jumppad:
0x0: {  	(pc) =	sbr.rel $0x88, $3  }
0x1: {  	(tag) =	ssettag $0x0;
	lr =	simm.s32 $0x1  }
0x2: {  	[smem:$0x3F9B] =	sst lr;
	_ =	strace $0xD0000000  }
0x3: {  	_ = 	snop  }
0x4: {  	_ = 	snop  }
0x5: {  	_ = 	snop  }
0x6: {  	_ = 	snop  }
0x7: {  	_ = 	snop  }
__scs_overlays_trampoline_lowered:
0x8: {  	[smem:$0x3FAA] =	sst s0  }
0x9: {  	[smem:$0x3FAB] =	sst s1  }
0xa: {  	[smem:$0x3FAC] =	sst s2  }
0xb: {  	[smem:$0x3FAD] =	sst s3  }
0xc: {  	[smem:$0x3FAE] =	sst s4  }
0xd: {  	[smem:$0x3FAF] =	sst s5  }
0xe: {  	[smem:$0x3FB0] =	sst s6  }
0xf: {  	[smem:$0x3FB1] =	sst s7  }
0x10: {  	[smem:$0x3FB2] =	sst s8  }
0x11: {  	[smem:$0x3FB3] =	sst s9;
	s0 =	simm.s32 @!p0 $0x0  }
0x12: {  	s1 =	sld [smem:$0x3F99];
	s0 =	simm.s32 @p0 $0x1  }
0x13: {  	[smem:$0x3FB4] =	sst s0;
	s0 =	simm.s32 @!p1 $0x0  }
0x14: {  	s2 =	sld [smem:$0x3F98];
	s0 =	simm.s32 @p1 $0x1  }
0x15: {  	[smem:$0x3FB5] =	sst s0;
	s0 =	simm.s32 @!p2 $0x0  }
0x16: {  	s3 =	sld [smem:$0x3FDB];
	s0 =	simm.s32 @p2 $0x1  }
0x17: {  	s4 =	simm.s32 $0x1BF5;
	[smem:$0x3FB7] =	sst s0  }
0x18: {  	s0 =	sld [smem:$0x3F9A];
	_ =	swait.ge [sflag:s4], $0x0  }
0x19: {  	s7 =	sld [smem:$0x3F9B]  }
0x1a: {  	s8 =	sadd.s32 $0xFFFFE003, lr  }
0x1b: {  	s9 =	sadd.s32 $0xFFFFFEF7, lr;
	s5 =	simm.s32 $0xFFFFFFFF;
	p2 =	slt.u32 s8, $0xFFFFF086  }
0x1c: {  	p1 =	slt.u32 s9, $0xF7A;
	s5 =	simm.s32 @!p2 $0x0  }
0x1d: {  	s5 =	simm.s32 @p1 $0x1;
	p0 =	seq.s32 s7, s2  }
0x1e: {  	s7 =	smul.u32 @!p0 $0xF7A, s2;
	p2 =	seq.s32 @!p0 s5, $0x0  }
0x1f: {  	s9 =	smul.u32 $0xF7A, s1;
	s8 =	simm.s32 @!p0 $0x1BF5;
	p2 =	por !p2, p0  }
0x20: {  	[sflag:s8] =	ssyncset.s32 @!p0 $0xFFFFF086;
	s6 =	sadd.s32 @!p0 s3, s7;
	s7 =	simm.s32 @!p0 $0x108  }
0x21: {  	s3 =	sadd.s32 s3, s9;
	s6 =	sadd.s32 @!p0 $0x88, s6;
	s7 =	simm.s32 @p2 $0x1082  }
0x22: {  	[simem:s7], [sflag:s8] =	dma.local @!p0 [hbm:s6], $0xF7A  }
0x23: {  	s9 =	sor.u32 $0xD0000000, s2;
	s6 =	simm.s32 $0x108;
	_ =	swait.ge @!p0 [sflag:s8], $0x0  }
0x24: {  	s3 =	sadd.s32 $0x88, s3;
	s6 =	simm.s32 @!p1 $0x1082;
	[sflag:s4] =	ssyncset.s32 $0xFFFFF086  }
0x25: {  	[simem:s6], [sflag:s4] =	dma.local [hbm:s3], $0xF7A  }
0x26: {  	[smem:$0x3F9B] =	sst s1;
	(tag) =	ssettag s2;
	_ =	strace s9  }
0x27: {  	s1 =	sld [smem:$0x3FAB]  }
0x28: {  	s2 =	sld [smem:$0x3FAC]  }
0x29: {  	s4 =	sld [smem:$0x3FAE]  }
0x2a: {  	p0 =	seq.s32 s5, $0x0;
	s5 =	sld [smem:$0x3FAF]  }
0x2b: {  	s6 =	sld [smem:$0x3FB0]  }
0x2c: {  	s7 =	sld [smem:$0x3FB1]  }
0x2d: {  	s3 =	simm.s32 $0x108;
	s8 =	sld [smem:$0x3FB2]  }
0x2e: {  	s3 =	simm.s32 @!p0 $0x1082;
	s9 =	sld [smem:$0x3FB3]  }
0x2f: {  	lr =	sadd.s32 s0, s3;
	s0 =	sld [smem:$0x3FAA]  }
0x30: {  	s3 =	sld [smem:$0x3FAD]  }
0x31: {  	[smem:$0x3FB6] =	sst s10  }
0x32: {  	s10 =	sld [smem:$0x3FB4];
	_ =	sdelay $0x3  }
0x33: {  	p0 =	seq.s32 s10, $0x1;
	s10 =	sld [smem:$0x3FB6];
	_ =	sdelay $0x3  }
0x34: {  	[smem:$0x3FB6] =	sst s10  }
0x35: {  	s10 =	sld [smem:$0x3FB5];
	_ =	sdelay $0x3  }
0x36: {  	p1 =	seq.s32 s10, $0x1;
	s10 =	sld [smem:$0x3FB6];
	_ =	sdelay $0x3  }
0x37: {  	[smem:$0x3FB6] =	sst s10  }
0x38: {  	s10 =	sld [smem:$0x3FB7]  }
0x39: {  	_ = 	snop;
	(pc) =	sbr.ind lr, $3  }
0x3a: {  	_ = 	snop  }
0x3b: {  	_ = 	snop  }
0x3c: {  	p2 =	seq.s32 s10, $0x1;
	s10 =	sld [smem:$0x3FB6]  }
0x3d: {  	_ =	shalt  }
0x3e: {  	_ =	shalt  }
0x3f: {  	_ =	shalt  }
0x40: {  	_ =	shalt  }
0x41: {  	_ =	shalt  }
0x42: {  	_ =	shalt  }
0x43: {  	_ =	shalt  }
0x44: {  	_ =	shalt  }
0x45: {  	_ =	shalt  }
0x46: {  	_ =	shalt  }
0x47: {  	_ =	shalt  }
0x48: {  	_ =	shalt  }
0x49: {  	_ =	shalt  }
0x4a: {  	_ =	shalt  }
0x4b: {  	_ =	shalt  }
0x4c: {  	_ =	shalt  }
0x4d: {  	_ =	shalt  }
0x4e: {  	_ =	shalt  }
0x4f: {  	_ =	shalt  }
0x50: {  	_ =	shalt  }
0x51: {  	_ =	shalt  }
0x52: {  	_ =	shalt  }
0x53: {  	_ =	shalt  }
0x54: {  	_ =	shalt  }
0x55: {  	_ =	shalt  }
0x56: {  	_ =	shalt  }
0x57: {  	_ =	shalt  }
0x58: {  	_ =	shalt  }
0x59: {  	_ =	shalt  }
0x5a: {  	_ =	shalt  }
0x5b: {  	_ =	shalt  }
0x5c: {  	_ =	shalt  }
0x5d: {  	_ =	shalt  }
0x5e: {  	_ =	shalt  }
0x5f: {  	_ =	shalt  }
0x60: {  	_ =	shalt  }
0x61: {  	_ =	shalt  }
0x62: {  	_ =	shalt  }
0x63: {  	_ =	shalt  }
0x64: {  	_ =	shalt  }
0x65: {  	_ =	shalt  }
0x66: {  	_ =	shalt  }
0x67: {  	_ =	shalt  }
0x68: {  	_ =	shalt  }
0x69: {  	_ =	shalt  }
0x6a: {  	_ =	shalt  }
0x6b: {  	_ =	shalt  }
0x6c: {  	_ =	shalt  }
0x6d: {  	_ =	shalt  }
0x6e: {  	_ =	shalt  }
0x6f: {  	_ =	shalt  }
0x70: {  	_ =	shalt  }
0x71: {  	_ =	shalt  }
0x72: {  	_ =	shalt  }
0x73: {  	_ =	shalt  }
0x74: {  	_ =	shalt  }
0x75: {  	_ =	shalt  }
0x76: {  	_ =	shalt  }
0x77: {  	_ =	shalt  }
0x78: {  	_ =	shalt  }
0x79: {  	_ =	shalt  }
0x7a: {  	_ =	shalt  }
0x7b: {  	_ =	shalt  }
0x7c: {  	_ =	shalt  }
0x7d: {  	_ =	shalt  }
0x7e: {  	_ =	shalt  }
0x7f: {  	_ =	shalt  }
0x80: {  	_ =	shalt  }
0x81: {  	_ =	shalt  }
0x82: {  	_ =	shalt  }
0x83: {  	_ =	shalt  }
0x84: {  	_ =	shalt  }
0x85: {  	_ =	shalt  }
0x86: {  	_ =	shalt  }
0x87: {  	_ =	shalt  }
.Lfunc_end0:
.L_simem_size_0:
called_computation_lowered:
.L_overlay_start_0:
0x88: {  	s2 =	sld [smem:$0x3FD9]  }
0x89: {  	s3 =	sld [smem:$0x3FFE];
	_ =	sdelay $0x1  }
0x8a: {  	s1 =	srdreg.scid  }
0x8b: {  	s0 =	sand.u32 $0x1, s1  }
0x8c: {  	s16 =	sshll.u32 s0, $0xA;
	s2 =	sadd.s32 s3, s2  }
0x8d: {  	s2 =	sadd.s32 s2, s16  }
0x8e: {  	[smem:$0x3FC2] =	sst s2  }
0x8f: {  	_ = 	snop  }
0x90: {  	(tm) =	ssettm $0x1  }
0x91: {  	s17 =	sld [smem:$0x3FFB];
	_ =	sdelay $0x3  }
0x92: {  	_ =	strace s17  }
0x93: {  	s2 =	sld [smem:$0x3FFC];
	_ =	sdelay $0x3  }
0x94: {  	_ =	strace s2  }
0x95: {  	s2 =	sld [smem:$0x3FFD];
	_ =	sdelay $0x3  }
0x96: {  	_ =	strace s2  }
0x97: {  	_ =	strace $0x8FFFFFFF  }
0x98: {  	s18 =	sld [smem:$0x3FDB];
	_ =	sdelay $0x1  }
0x99: {  	s19 =	simm.s32 $_scs_section_size  }
0x9a: {  	s4 =	simm.s32 $_size__tile_overlayer_lowered;
	s5 =	simm.s32 $_tile_overlayer_lowered  }
0x9b: {  	s22 =	simm.s32 $0x1BFF;
	s21 =	sshll.u32 s5, $0x1;
	s2 =	sadd.s32 s19, s18  }
0x9c: {  	s6 =	simm.s32 $0x0;
	s20 =	sshll.u32 s4, $0x1;
	s4 =	sadd.s32 s21, s2  }
0x9d: {  	[timem:s6], [sflag:s22] =	dma.local [hbm:s4], s20  }
0x9e: {  	_ =	swait.ge [sflag:s22], s20  }
0x9f: {  	s3 =	ssub.s32 $0x0, s20;
	[sflag:s22] =	ssyncset.done $0x0  }
0xa0: {  	[sflag:s22] =	ssyncadd.s32 s3;
	_ =	sdelay $0x1  }
0xa1: {  	s23 =	simm.s32 $0x1B8B  }
0xa2: {  	_ =	swait.ge [sflag:s23], $0x1  }
0xa3: {  	[sflag:s23] =	ssyncset.done $0x0  }
0xa4: {  	s25 =	simm.s32 $0x1B8E;
	s24 =	sld [smem:$0x3FFE];
	[sflag:s23] =	ssyncadd.s32 $0xFFFFFFFF  }
0xa5: {  	s26 =	simm.s32 $execute0_lowered;
	[smem:$0x3FD2] =	sst s25  }
0xa6: {  	s4 =	sshll.u32 s26, $0x1;
	_ =	strace $0x80000046;
	[dreg:$0x1] =	wrdreg $0xFFFFFFFF  }
0xa7: {  	s28 =	simm.s32 $_size_execute0_lowered;
	s2 =	sadd.s32 s2, s4;
	[dreg:$0x0] =	wrdreg $0x0  }
0xa8: {  	s4 =	sshll.u32 s28, $0x1;
	[dreg:$0x2] =	wrdreg s2  }
0xa9: {  	[dreg:$0x3] =	wrdreg s4  }
0xaa: {  	[dreg:$0x4] =	wrdreg $0xC0  }
0xab: {  	_ =	task [dreg:s6], $0x5FFFF  }
0xac: {  	[dreg:$0x1] =	wrdreg $0xFFFFFFFF  }
0xad: {  	[dreg:$0x0] =	wrdreg $0x60  }
0xae: {  	[dreg:$0x2] =	wrdreg s24  }
0xaf: {  	[dreg:$0x3] =	wrdreg $0x9  }
0xb0: {  	_ =	task.clear_ibuf [dreg:s6], $0x4FFFF;
	_ =	strace $0x90000046  }
0xb1: {  	s29 =	simm.s32 $0x9;
	_ =	strace $0x80000048  }
0xb2: {  	_ =	swait.ge [sflag:s29], $0x1  }
0xb3: {  	[sflag:s29] =	ssyncadd.s32 $0xFFFFFFFF  }
0xb4: {  	_ =	strace $0x90000048  }
0xb5: {  	_ =	sfence  }
0xb6: {  	s30 =	sld [smem:$0x0];
	_ =	sdelay $0x2  }
0xb7: {  	s31 =	sshll.u32 s1, $0xD;
	s1 =	sshrl.u32 s1, $0x2  }
0xb8: {  	s3 =	sand.u32 $0x4000, s31;
	s1 =	sadd.s32 s1, s30  }
0xb9: {  	s0 =	sor.u32 s3, s0;
	s1 =	sshll.u32 s1, $0x11  }
0xba: {  	s0 =	sor.u32 s1, s0  }
0xbb: {  	s0 =	sadd.s32 $0x8F2B, s0  }
0xbc: {  	[sflag:s0] =	ssyncadd.remote.s32 $0x1  }
0xbd: {  	_ =	sfence.sel $0xFFFF  }
0xbe: {  	[dreg:$0x0] =	wrdreg $0xFFFFFFFF;
	(pc) =	sbr.abs _section_cstart, $3  }
0xbf: {  	[dreg:$0x1] =	wrdreg $0xFFFFFFFF  }
0xc0: {  	_ =	task.clear_ibuf [dreg:s6], $0x2FFFF;
	_ =	strace $0x9FFFFFFF  }
0xc1: {  	(tm) =	ssettm $0x7FFFFFFF  }
tec
execute0_lowered:
.L_overlay_start_1:
0x0: {  	(tag) =	ssettag $0x1  }
0x1: {  	s1 =	srdreg.scid;
	s0 =	stileid.u32  }
0x2: {  	s6 =	sand.u32 $0x1, s1;
	s31 =	sshll.u32 s0, $0x1  }
0x3: {  	s1 =	sor.u32 s6, s31  }
0x4: {  	s5 =	rddreg [dreg:$0x0];
	s2 =	simm.s32 $0x0;
	s3 =	smul.u32 $0x201, s1  }
0x5: {  	s7 =	simm.s32 $0x1080;
	[smem:$0x7FF] =	sst s2  }
0x6: {  	s10 =	ssub.s32 $0x2, s6;
	s1 =	rddreg [dreg:$0x1];
	s9 =	sadd.s32 s3, s5  }
0x7: {  	_ =	strace $0x80000047;
	s3 =	simm.s32 $0x2;
	s4 =	sadd.s32 $0x30E600, s9  }
0x8: {  	[tilespmem:s2], [sflag:$0x2] =	stream.linear.gather [hbm4b:s4+s2], $0x1008, $0x38;
	[tilespmem:$0x2100] =	vst v63  }
0x9: {  	s8 =	simm.s32 $0x1;
	s11 =	sshrl.u32 s10, $0x1;
	_ =	swait.ge [sflag:s3], $0x1008  }
0xa: {  	s6 =	simm.s32 $0x1008;
	s10 =	ssub.s32 s10, s11;
	[sflag:s3] =	ssyncset.done $0x0  }
0xb: {  	s5 =	sadd.s32 $0x187C00, s5;
	s10 =	smax.u32 s10, $0x1;
	[sflag:s3] =	ssyncadd.s32 $0xFFFFEFF8  }
0xc: {  	[tilespmem:s7], [sflag:$0x1] =	stream.indirect.gather [hbm4b:s5+s6], $0x1, s2, s6, $0xb8;
	[tilespmem:$0x2100] =	vst v63  }
0xd: {  	p0 =	sne.s32 s10, $0x1;
	_ =	swait.ge [sflag:s8], $0x1008  }
.Ltmp0:
0xe: {  	[sflag:s8] =	ssyncset.done $0x0;
	(pc) =	sbr.rel @!p0 .LBB2_2-.Ltmp0, $4  }
0xf: {  	s9 =	sadd.s32 $0x312800, s9;
	[sflag:s8] =	ssyncadd.s32 $0xFFFFEFF8  }
0x10: {  	[hbm4b:s9+s2] =	stream.linear.scatter [tilespmem:s7], [sflag:$0x2], $0x1008, $0x38;
	[tilespmem:$0x2100] =	vst v63  }
0x11: {  	_ =	swait.ge [sflag:s3], $0x1008  }
0x12: {  	s10 =	sadd.s32 $0xFFFFFFFF, s10;
	[sflag:s3] =	ssyncset.done $0x0  }
.LBB2_1:
0x13: {  	p0 =	sne.s32 s10, $0x1;
	s10 =	sadd.s32 $0xFFFFFFFF, s10;
	[sflag:s3] =	ssyncadd.s32 $0xFFFFEFF8  }
0x14: {  	[tilespmem:s2], [sflag:$0x2] =	stream.linear.gather [hbm4b:s4+s2], $0x1008, $0x38;
	[tilespmem:$0x2100] =	vst v63  }
0x15: {  	_ =	swait.ge [sflag:s3], $0x1008  }
0x16: {  	[sflag:s3] =	ssyncset.done $0x0  }
0x17: {  	[sflag:s3] =	ssyncadd.s32 $0xFFFFEFF8  }
0x18: {  	[tilespmem:s7], [sflag:$0x1] =	stream.indirect.gather [hbm4b:s5+s6], $0x1, s2, s6, $0xb8;
	[tilespmem:$0x2100] =	vst v63  }
0x19: {  	_ =	swait.ge [sflag:s8], $0x1008  }
.Ltmp1:
0x1a: {  	[sflag:s8] =	ssyncset.done $0x0;
	(pc) =	sbr.rel @p0 .LBB2_1-.Ltmp1, $4  }
0x1b: {  	[sflag:s8] =	ssyncadd.s32 $0xFFFFEFF8  }
0x1c: {  	[hbm4b:s9+s2] =	stream.linear.scatter [tilespmem:s7], [sflag:$0x2], $0x1008, $0x38;
	[tilespmem:$0x2100] =	vst v63  }
0x1d: {  	_ =	swait.ge [sflag:s3], $0x1008  }
0x1e: {  	[sflag:s3] =	ssyncset.done $0x0  }
.LBB2_2:
0x1f: {  	[sflag:s3] =	ssyncadd.s32 $0xFFFFEFF8  }
0x20: {  	_ =	sfence.sel $0x180000  }
0x21: {  	[bflag:$0x0] =	sbarrier.arrive $0xFFFF  }
0x22: {  	p0 =	sne.s32 s0, $0x0;
	_ =	strace $0x90000047  }
0x23: {  	s0 =	sadd.s32 @!p0 $0x100000, s1;
	[bflag:$0x2] =	sbarrier.arrive $0xFFFF  }
0x24: {  	[sflag:s0] =	ssyncadd.tile.s32 @!p0 $0x1;
	_ =	shalt  }
.Lfunc_end2:
_tile_overlayer_lowered:
.L_overlay_start_2:
0x25: {  	(tag) =	ssettag $0x2  }
0x26: {  	s0 =	rddreg [dreg:$0x0];
	s2 =	stileid.u32  }
0x27: {  	s1 =	rddreg [dreg:$0x1];
	p0 =	sne.s32 s2, $0x0  }
0x28: {  	s3 =	rddreg [dreg:$0x2];
	[bflag:$0x3] =	sbarrier.arrive $0xFFFF;
	s2 =	simm.s32 @!p0 $0x1C02  }
0x29: {  	[timem:s3], [sflag:s2] =	dma.local @!p0 [hbm:s0], s1  }
0x2a: {  	s0 =	simm.s32 @!p0 $0x2  }
0x2b: {  	_ =	swait.ge @!p0 [sflag:s0], s1  }
0x2c: {  	s1 =	ssub.s32 @!p0 $0x0, s1;
	[sflag:s0] =	ssyncset.done @!p0 $0x0  }
0x2d: {  	[sflag:s0] =	ssyncadd.s32 @!p0 s1  }
0x2e: {  	[bflag:$0x3] =	sbarrier.arrive $0xFFFF  }
0x2f: {  	_ =	shalt  }

</sc_bundles>
